<compile_context>
chip_gen: v7x
topology: tpu7x:2x2x1
jax: 0.10.2.dev20260603
libtpu: 0.0.44.dev20260713+nightly
codegen_flags: <defaults>
</compile_context>

<pallas_src>
import functools

import jax
import jax.numpy as jnp
from jax import lax
from jax.experimental import pallas as pl
from jax.experimental.pallas import tpu as pltpu
from jax.experimental.pallas import tpu_sc as plsc

VOCAB = 100000
D = 128
B = 4096 * 200
NW = 32
BPW = B // NW
CHUNK = 128
NCH = BPW // CHUNK

NBUF = 4

_mesh = plsc.VectorSubcoreMesh(core_axis_name="c", subcore_axis_name="s")


@functools.partial(
    pl.kernel,
    mesh=_mesh,
    out_type=jax.ShapeDtypeStruct((B, D), jnp.float32),
    scratch_types=[
        pltpu.VMEM((NCH, CHUNK), jnp.int32),
        pltpu.VMEM((NBUF * CHUNK, D), jnp.float32),
    ]
    + [pltpu.SemaphoreType.DMA] * (2 * NBUF),
)
def _gather_kernel(idx_hbm, table_hbm, out_hbm, idx_v, rows_v, *sems):
    gsem = sems[:NBUF]
    ssem = sems[NBUF:]
    wid = lax.axis_index("s") * 2 + lax.axis_index("c")
    base = wid * BPW
    pltpu.sync_copy(idx_hbm.at[wid], idx_v)

    def store_copy(b, j):
        return pltpu.make_async_copy(
            rows_v.at[pl.ds(b * CHUNK, 2 * CHUNK)],
            out_hbm.at[pl.ds(base + j * CHUNK, 2 * CHUNK)],
            ssem[b],
        )

    def body(i, carry):
        j0 = i * NBUF
        for b in range(NBUF):
            if b % 2 == 0:
                @pl.when(i > 0)
                def _():
                    store_copy(b, j0 + b - NBUF).wait()

            pltpu.async_copy(table_hbm.at[idx_v.at[j0 + b]],
                             rows_v.at[pl.ds(b * CHUNK, CHUNK)], gsem[b])
        for b in range(NBUF):
            pltpu.make_async_copy(table_hbm.at[idx_v.at[j0 + b]],
                                  rows_v.at[pl.ds(b * CHUNK, CHUNK)],
                                  gsem[b]).wait()
            if b % 2 == 1:
                store_copy(b - 1, j0 + b - 1).start()
        return carry

    lax.fori_loop(0, NCH // NBUF, body, 0)
    for b in range(0, NBUF, 2):
        store_copy(b, NCH - NBUF + b).wait()


def kernel(entity_indices, entity_embeddings):
    idx = entity_indices.reshape(NW, NCH, CHUNK)
    out = _gather_kernel(idx, entity_embeddings)
    return out.reshape(entity_indices.shape + (D,))

# --- scband reference (transcript-rebuilt; emitter-appended) ---
"""Pipeline reference for scband-entity-index-to-embedding-mapper-58884001628331 (READ-ONLY COPY).

The authoritative reference and input builder live on the scoring server;
editing this copy changes nothing except your own understanding.
"""

import jax, jax.numpy as jnp
import numpy as np

VOCAB = 100000
ENT_DIM = 128

def setup_inputs(seed: int = 0) -> dict:
    key = jax.random.key(seed)
    k1, k2 = jax.random.split(key)
    entity_indices = jax.random.randint(k1, (4096, 200), 0, VOCAB, dtype=jnp.int64 if jax.config.jax_enable_x64 else jnp.int32).astype(jnp.int32)
    entity_embeddings = jax.random.normal(k2, (VOCAB, ENT_DIM), dtype=jnp.float32)
    return {"entity_indices": entity_indices, "entity_embeddings": entity_embeddings}

def reference(entity_indices, entity_embeddings):
    original_shape = entity_indices.shape
    flat = entity_indices.reshape(-1)
    embeds = jnp.take(entity_embeddings, flat, axis=0)
    return embeds.reshape(original_shape + (-1,))

if __name__ == "__main__":
    import jax
    _d = setup_inputs()
    print(jax.jit(kernel)(*tuple(_d.values())))

</pallas_src>

<mosaic_0001>
#map = affine_map<(d0, d1) -> (0, 0, 0)>
#map1 = affine_map<(d0, d1) -> (0, 0)>
module attributes {stable_mosaic.version = 14 : i64} {
  func.func @_gather_kernel(%arg0: i32, %arg1: i32, %arg2: memref<32x200x128xi32, #tpu.memory_space<hbm>>, %arg3: memref<100000x128xf32, #tpu.memory_space<hbm>>, %arg4: memref<819200x128xf32, #tpu.memory_space<hbm>>, %arg5: memref<200x128xi32, #tpu.memory_space<vmem>>, %arg6: memref<512x128xf32, #tpu.memory_space<vmem>>, %arg7: memref<!tpu.dma_semaphore, #tpu.memory_space<semaphore_mem>>, %arg8: memref<!tpu.dma_semaphore, #tpu.memory_space<semaphore_mem>>, %arg9: memref<!tpu.dma_semaphore, #tpu.memory_space<semaphore_mem>>, %arg10: memref<!tpu.dma_semaphore, #tpu.memory_space<semaphore_mem>>, %arg11: memref<!tpu.dma_semaphore, #tpu.memory_space<semaphore_mem>>, %arg12: memref<!tpu.dma_semaphore, #tpu.memory_space<semaphore_mem>>, %arg13: memref<!tpu.dma_semaphore, #tpu.memory_space<semaphore_mem>>, %arg14: memref<!tpu.dma_semaphore, #tpu.memory_space<semaphore_mem>>) attributes {dimension_semantics = [#tpu.dimension_semantics<core_parallel>, #tpu.dimension_semantics<subcore_parallel>], iteration_bounds = array<i64: 2, 16>, scalar_prefetch = 0 : i64, scratch_operands = 10 : i64, tpu.core_type = #tpu.core_type<sc_vector_subcore>, window_params = [{transform_indices = #map}, {transform_indices = #map1}, {transform_indices = #map1}]} {
    %mul3A = arith.constant 2 : i32
    %mul3A_0 = arith.muli %arg1, %mul3A : i32
    %add3A = arith.addi %mul3A_0, %arg0 : i32
    %mul3A_1 = arith.constant 25600 : i32
    %mul3A_2 = arith.muli %add3A, %mul3A_1 : i32
    "tpu.region"() ({
      %run_scoped3A = tpu.sem_alloc : memref<!tpu.dma_semaphore, #tpu.memory_space<semaphore_mem>>
      %dma_start3A = arith.constant 0 : i32
      %dma_start3A_31 = arith.constant 0 : i32
      %dma_start3A_32 = tpu.memref_slice %arg2[%add3A, %dma_start3A, %dma_start3A_31] : memref<32x200x128xi32, #tpu.memory_space<hbm>> -> memref<1x200x128xi32, #tpu.memory_space<hbm>>
      %dma_start3A_33 = tpu.memref_squeeze %dma_start3A_32 : memref<1x200x128xi32, #tpu.memory_space<hbm>> -> memref<200x128xi32, #tpu.memory_space<hbm>>
      %dma_start3A_34 = arith.constant 0 : i32
      %dma_start3A_35 = arith.constant 0 : i32
      %dma_start3A_36 = tpu.memref_slice %arg2[%add3A, %dma_start3A_34, %dma_start3A_35] : memref<32x200x128xi32, #tpu.memory_space<hbm>> -> memref<1x200x128xi32, #tpu.memory_space<hbm>>
      %dma_start3A_37 = tpu.memref_squeeze %dma_start3A_36 : memref<1x200x128xi32, #tpu.memory_space<hbm>> -> memref<200x128xi32, #tpu.memory_space<hbm>>
      tpu.enqueue_dma source(%dma_start3A_37 : memref<200x128xi32, #tpu.memory_space<hbm>>) target(%arg5 : memref<200x128xi32, #tpu.memory_space<vmem>>) target_semaphore(%run_scoped3A : memref<!tpu.dma_semaphore, #tpu.memory_space<semaphore_mem>>)
      %dma_wait3A_38 = arith.constant 0 : i32
      %dma_wait3A_39 = arith.constant 0 : i32
      %dma_wait3A_40 = tpu.memref_slice %arg2[%add3A, %dma_wait3A_38, %dma_wait3A_39] : memref<32x200x128xi32, #tpu.memory_space<hbm>> -> memref<1x200x128xi32, #tpu.memory_space<hbm>>
      %dma_wait3A_41 = tpu.memref_squeeze %dma_wait3A_40 : memref<1x200x128xi32, #tpu.memory_space<hbm>> -> memref<200x128xi32, #tpu.memory_space<hbm>>
      %dma_wait3A_42 = arith.constant 0 : i32
      %dma_wait3A_43 = arith.constant 0 : i32
      %dma_wait3A_44 = tpu.memref_slice %arg2[%add3A, %dma_wait3A_42, %dma_wait3A_43] : memref<32x200x128xi32, #tpu.memory_space<hbm>> -> memref<1x200x128xi32, #tpu.memory_space<hbm>>
      %dma_wait3A_45 = tpu.memref_squeeze %dma_wait3A_44 : memref<1x200x128xi32, #tpu.memory_space<hbm>> -> memref<200x128xi32, #tpu.memory_space<hbm>>
      tpu.wait_dma2 semaphore(%run_scoped3A : memref<!tpu.dma_semaphore, #tpu.memory_space<semaphore_mem>>) src(%dma_wait3A_45 : memref<200x128xi32, #tpu.memory_space<hbm>>) dst(%arg5 : memref<200x128xi32, #tpu.memory_space<vmem>>)
      tpu.yield
    }) : () -> ()
    %scan3A = arith.constant 0 : i32
    %scan3A_3 = arith.constant 0 : i32
    %scan3A_4 = arith.constant 50 : i32
    %scan3A_5 = arith.addi %scan3A_3, %scan3A_4 : i32
    %scan3A_6 = arith.constant 1 : i32
    scf.for %scan3A_31 = %scan3A_3 to %scan3A_5 step %scan3A_6  : i32 {
      %mul3A_32 = arith.constant 4 : i32
      %mul3A_33 = arith.muli %scan3A_31, %mul3A_32 : i32
      %gt3A = arith.constant 0 : i32
      %gt3A_34 = arith.cmpi sgt, %scan3A_31, %gt3A : i32
      %convert_element_type3A = arith.extui %gt3A_34 : i1 to i32
      %cond3A = arith.constant 0 : i32
      %cond3A_35 = arith.cmpi ne, %convert_element_type3A, %cond3A : i32
      scf.if %cond3A_35 {
        %add3A_161 = arith.constant 0 : i32
        %add3A_162 = arith.addi %mul3A_33, %add3A_161 : i32
        %sub3A_163 = arith.constant 4 : i32
        %sub3A_164 = arith.subi %add3A_162, %sub3A_163 : i32
        %mul3A_165 = arith.constant 128 : i32
        %mul3A_166 = arith.muli %sub3A_164, %mul3A_165 : i32
        %add3A_167 = arith.addi %mul3A_2, %mul3A_166 : i32
        %dma_wait3A_168 = arith.constant 0 : i32
        %dma_wait3A_169 = arith.constant 0 : i32
        %dma_wait3A_170 = tpu.memref_slice %arg6[%dma_wait3A_168, %dma_wait3A_169] : memref<512x128xf32, #tpu.memory_space<vmem>> -> memref<256x128xf32, #tpu.memory_space<vmem>>
        %dma_wait3A_171 = arith.constant 0 : i32
        %dma_wait3A_172 = tpu.memref_slice %arg4[%add3A_167, %dma_wait3A_171] : memref<819200x128xf32, #tpu.memory_space<hbm>> -> memref<256x128xf32, #tpu.memory_space<hbm>>
        %dma_wait3A_173 = arith.constant 0 : i32
        %dma_wait3A_174 = tpu.memref_slice %arg4[%add3A_167, %dma_wait3A_173] : memref<819200x128xf32, #tpu.memory_space<hbm>> -> memref<256x128xf32, #tpu.memory_space<hbm>>
        %dma_wait3A_175 = arith.constant 0 : i32
        %dma_wait3A_176 = arith.constant 0 : i32
        %dma_wait3A_177 = tpu.memref_slice %arg6[%dma_wait3A_175, %dma_wait3A_176] : memref<512x128xf32, #tpu.memory_space<vmem>> -> memref<256x128xf32, #tpu.memory_space<vmem>>
        tpu.wait_dma2 semaphore(%arg11 : memref<!tpu.dma_semaphore, #tpu.memory_space<semaphore_mem>>) src(%dma_wait3A_177 : memref<256x128xf32, #tpu.memory_space<vmem>>) dst(%dma_wait3A_174 : memref<256x128xf32, #tpu.memory_space<hbm>>)
      } else {
      }
      %add3A_36 = arith.constant 0 : i32
      %add3A_37 = arith.addi %mul3A_33, %add3A_36 : i32
      %dma_start3A = arith.constant 0 : i32
      %dma_start3A_38 = arith.constant 0 : i32
      %dma_start3A_39 = tpu.memref_slice %arg6[%dma_start3A, %dma_start3A_38] : memref<512x128xf32, #tpu.memory_space<vmem>> -> memref<128x128xf32, #tpu.memory_space<vmem>>
      %dma_start3A_40 = arith.constant 0 : i32
      %dma_start3A_41 = tpu.memref_slice %arg5[%add3A_37, %dma_start3A_40] : memref<200x128xi32, #tpu.memory_space<vmem>> -> memref<1x128xi32, #tpu.memory_space<vmem>>
      %dma_start3A_42 = tpu.memref_squeeze %dma_start3A_41 : memref<1x128xi32, #tpu.memory_space<vmem>> -> memref<128xi32, #tpu.memory_space<vmem>>
      %dma_start3A_43 = arith.constant 0 : i32
      %dma_start3A_44 = arith.constant 0 : i32
      %dma_start3A_45 = tpu.memref_slice %arg3[%dma_start3A_43, %dma_start3A_44] : memref<100000x128xf32, #tpu.memory_space<hbm>> -> memref<100000x128xf32, #tpu.memory_space<hbm>>
      tpu.enqueue_indirect_dma source(%dma_start3A_45 : memref<100000x128xf32, #tpu.memory_space<hbm>>) target(%dma_start3A_39 : memref<128x128xf32, #tpu.memory_space<vmem>>) offsets(%dma_start3A_42 : memref<128xi32, #tpu.memory_space<vmem>>) semaphore(%arg7 : memref<!tpu.dma_semaphore, #tpu.memory_space<semaphore_mem>>)
      %add3A_46 = arith.constant 1 : i32
      %add3A_47 = arith.addi %mul3A_33, %add3A_46 : i32
      %dma_start3A_48 = arith.constant 128 : i32
      %dma_start3A_49 = arith.constant 0 : i32
      %dma_start3A_50 = tpu.memref_slice %arg6[%dma_start3A_48, %dma_start3A_49] : memref<512x128xf32, #tpu.memory_space<vmem>> -> memref<128x128xf32, #tpu.memory_space<vmem>>
      %dma_start3A_51 = arith.constant 0 : i32
      %dma_start3A_52 = tpu.memref_slice %arg5[%add3A_47, %dma_start3A_51] : memref<200x128xi32, #tpu.memory_space<vmem>> -> memref<1x128xi32, #tpu.memory_space<vmem>>
      %dma_start3A_53 = tpu.memref_squeeze %dma_start3A_52 : memref<1x128xi32, #tpu.memory_space<vmem>> -> memref<128xi32, #tpu.memory_space<vmem>>
      %dma_start3A_54 = arith.constant 0 : i32
      %dma_start3A_55 = arith.constant 0 : i32
      %dma_start3A_56 = tpu.memref_slice %arg3[%dma_start3A_54, %dma_start3A_55] : memref<100000x128xf32, #tpu.memory_space<hbm>> -> memref<100000x128xf32, #tpu.memory_space<hbm>>
      tpu.enqueue_indirect_dma source(%dma_start3A_56 : memref<100000x128xf32, #tpu.memory_space<hbm>>) target(%dma_start3A_50 : memref<128x128xf32, #tpu.memory_space<vmem>>) offsets(%dma_start3A_53 : memref<128xi32, #tpu.memory_space<vmem>>) semaphore(%arg8 : memref<!tpu.dma_semaphore, #tpu.memory_space<semaphore_mem>>)
      %gt3A_57 = arith.constant 0 : i32
      %gt3A_58 = arith.cmpi sgt, %scan3A_31, %gt3A_57 : i32
      %convert_element_type3A_59 = arith.extui %gt3A_58 : i1 to i32
      %cond3A_60 = arith.constant 0 : i32
      %cond3A_61 = arith.cmpi ne, %convert_element_type3A_59, %cond3A_60 : i32
      scf.if %cond3A_61 {
        %add3A_161 = arith.constant 2 : i32
        %add3A_162 = arith.addi %mul3A_33, %add3A_161 : i32
        %sub3A_163 = arith.constant 4 : i32
        %sub3A_164 = arith.subi %add3A_162, %sub3A_163 : i32
        %mul3A_165 = arith.constant 128 : i32
        %mul3A_166 = arith.muli %sub3A_164, %mul3A_165 : i32
        %add3A_167 = arith.addi %mul3A_2, %mul3A_166 : i32
        %dma_wait3A_168 = arith.constant 256 : i32
        %dma_wait3A_169 = arith.constant 0 : i32
        %dma_wait3A_170 = tpu.memref_slice %arg6[%dma_wait3A_168, %dma_wait3A_169] : memref<512x128xf32, #tpu.memory_space<vmem>> -> memref<256x128xf32, #tpu.memory_space<vmem>>
        %dma_wait3A_171 = arith.constant 0 : i32
        %dma_wait3A_172 = tpu.memref_slice %arg4[%add3A_167, %dma_wait3A_171] : memref<819200x128xf32, #tpu.memory_space<hbm>> -> memref<256x128xf32, #tpu.memory_space<hbm>>
        %dma_wait3A_173 = arith.constant 0 : i32
        %dma_wait3A_174 = tpu.memref_slice %arg4[%add3A_167, %dma_wait3A_173] : memref<819200x128xf32, #tpu.memory_space<hbm>> -> memref<256x128xf32, #tpu.memory_space<hbm>>
        %dma_wait3A_175 = arith.constant 256 : i32
        %dma_wait3A_176 = arith.constant 0 : i32
        %dma_wait3A_177 = tpu.memref_slice %arg6[%dma_wait3A_175, %dma_wait3A_176] : memref<512x128xf32, #tpu.memory_space<vmem>> -> memref<256x128xf32, #tpu.memory_space<vmem>>
        tpu.wait_dma2 semaphore(%arg13 : memref<!tpu.dma_semaphore, #tpu.memory_space<semaphore_mem>>) src(%dma_wait3A_177 : memref<256x128xf32, #tpu.memory_space<vmem>>) dst(%dma_wait3A_174 : memref<256x128xf32, #tpu.memory_space<hbm>>)
      } else {
      }
      %add3A_62 = arith.constant 2 : i32
      %add3A_63 = arith.addi %mul3A_33, %add3A_62 : i32
      %dma_start3A_64 = arith.constant 256 : i32
      %dma_start3A_65 = arith.constant 0 : i32
      %dma_start3A_66 = tpu.memref_slice %arg6[%dma_start3A_64, %dma_start3A_65] : memref<512x128xf32, #tpu.memory_space<vmem>> -> memref<128x128xf32, #tpu.memory_space<vmem>>
      %dma_start3A_67 = arith.constant 0 : i32
      %dma_start3A_68 = tpu.memref_slice %arg5[%add3A_63, %dma_start3A_67] : memref<200x128xi32, #tpu.memory_space<vmem>> -> memref<1x128xi32, #tpu.memory_space<vmem>>
      %dma_start3A_69 = tpu.memref_squeeze %dma_start3A_68 : memref<1x128xi32, #tpu.memory_space<vmem>> -> memref<128xi32, #tpu.memory_space<vmem>>
      %dma_start3A_70 = arith.constant 0 : i32
      %dma_start3A_71 = arith.constant 0 : i32
      %dma_start3A_72 = tpu.memref_slice %arg3[%dma_start3A_70, %dma_start3A_71] : memref<100000x128xf32, #tpu.memory_space<hbm>> -> memref<100000x128xf32, #tpu.memory_space<hbm>>
      tpu.enqueue_indirect_dma source(%dma_start3A_72 : memref<100000x128xf32, #tpu.memory_space<hbm>>) target(%dma_start3A_66 : memref<128x128xf32, #tpu.memory_space<vmem>>) offsets(%dma_start3A_69 : memref<128xi32, #tpu.memory_space<vmem>>) semaphore(%arg9 : memref<!tpu.dma_semaphore, #tpu.memory_space<semaphore_mem>>)
      %add3A_73 = arith.constant 3 : i32
      %add3A_74 = arith.addi %mul3A_33, %add3A_73 : i32
      %dma_start3A_75 = arith.constant 384 : i32
      %dma_start3A_76 = arith.constant 0 : i32
      %dma_start3A_77 = tpu.memref_slice %arg6[%dma_start3A_75, %dma_start3A_76] : memref<512x128xf32, #tpu.memory_space<vmem>> -> memref<128x128xf32, #tpu.memory_space<vmem>>
      %dma_start3A_78 = arith.constant 0 : i32
      %dma_start3A_79 = tpu.memref_slice %arg5[%add3A_74, %dma_start3A_78] : memref<200x128xi32, #tpu.memory_space<vmem>> -> memref<1x128xi32, #tpu.memory_space<vmem>>
      %dma_start3A_80 = tpu.memref_squeeze %dma_start3A_79 : memref<1x128xi32, #tpu.memory_space<vmem>> -> memref<128xi32, #tpu.memory_space<vmem>>
      %dma_start3A_81 = arith.constant 0 : i32
      %dma_start3A_82 = arith.constant 0 : i32
      %dma_start3A_83 = tpu.memref_slice %arg3[%dma_start3A_81, %dma_start3A_82] : memref<100000x128xf32, #tpu.memory_space<hbm>> -> memref<100000x128xf32, #tpu.memory_space<hbm>>
      tpu.enqueue_indirect_dma source(%dma_start3A_83 : memref<100000x128xf32, #tpu.memory_space<hbm>>) target(%dma_start3A_77 : memref<128x128xf32, #tpu.memory_space<vmem>>) offsets(%dma_start3A_80 : memref<128xi32, #tpu.memory_space<vmem>>) semaphore(%arg10 : memref<!tpu.dma_semaphore, #tpu.memory_space<semaphore_mem>>)
      %add3A_84 = arith.constant 0 : i32
      %add3A_85 = arith.addi %mul3A_33, %add3A_84 : i32
      %dma_wait3A_86 = arith.constant 0 : i32
      %dma_wait3A_87 = arith.constant 0 : i32
      %dma_wait3A_88 = tpu.memref_slice %arg6[%dma_wait3A_86, %dma_wait3A_87] : memref<512x128xf32, #tpu.memory_space<vmem>> -> memref<128x128xf32, #tpu.memory_space<vmem>>
      %dma_wait3A_89 = arith.constant 0 : i32
      %dma_wait3A_90 = tpu.memref_slice %arg5[%add3A_85, %dma_wait3A_89] : memref<200x128xi32, #tpu.memory_space<vmem>> -> memref<1x128xi32, #tpu.memory_space<vmem>>
      %dma_wait3A_91 = tpu.memref_squeeze %dma_wait3A_90 : memref<1x128xi32, #tpu.memory_space<vmem>> -> memref<128xi32, #tpu.memory_space<vmem>>
      %dma_wait3A_92 = arith.constant 0 : i32
      %dma_wait3A_93 = arith.constant 0 : i32
      %dma_wait3A_94 = tpu.memref_slice %arg3[%dma_wait3A_92, %dma_wait3A_93] : memref<100000x128xf32, #tpu.memory_space<hbm>> -> memref<100000x128xf32, #tpu.memory_space<hbm>>
      tpu.wait_indirect_dma semaphore(%arg7 : memref<!tpu.dma_semaphore, #tpu.memory_space<semaphore_mem>>) src(%dma_wait3A_94 : memref<100000x128xf32, #tpu.memory_space<hbm>>) dst(%dma_wait3A_88 : memref<128x128xf32, #tpu.memory_space<vmem>>)
      %add3A_95 = arith.constant 1 : i32
      %add3A_96 = arith.addi %mul3A_33, %add3A_95 : i32
      %dma_wait3A_97 = arith.constant 128 : i32
      %dma_wait3A_98 = arith.constant 0 : i32
      %dma_wait3A_99 = tpu.memref_slice %arg6[%dma_wait3A_97, %dma_wait3A_98] : memref<512x128xf32, #tpu.memory_space<vmem>> -> memref<128x128xf32, #tpu.memory_space<vmem>>
      %dma_wait3A_100 = arith.constant 0 : i32
      %dma_wait3A_101 = tpu.memref_slice %arg5[%add3A_96, %dma_wait3A_100] : memref<200x128xi32, #tpu.memory_space<vmem>> -> memref<1x128xi32, #tpu.memory_space<vmem>>
      %dma_wait3A_102 = tpu.memref_squeeze %dma_wait3A_101 : memref<1x128xi32, #tpu.memory_space<vmem>> -> memref<128xi32, #tpu.memory_space<vmem>>
      %dma_wait3A_103 = arith.constant 0 : i32
      %dma_wait3A_104 = arith.constant 0 : i32
      %dma_wait3A_105 = tpu.memref_slice %arg3[%dma_wait3A_103, %dma_wait3A_104] : memref<100000x128xf32, #tpu.memory_space<hbm>> -> memref<100000x128xf32, #tpu.memory_space<hbm>>
      tpu.wait_indirect_dma semaphore(%arg8 : memref<!tpu.dma_semaphore, #tpu.memory_space<semaphore_mem>>) src(%dma_wait3A_105 : memref<100000x128xf32, #tpu.memory_space<hbm>>) dst(%dma_wait3A_99 : memref<128x128xf32, #tpu.memory_space<vmem>>)
      %add3A_106 = arith.constant 1 : i32
      %add3A_107 = arith.addi %mul3A_33, %add3A_106 : i32
      %sub3A = arith.constant 1 : i32
      %sub3A_108 = arith.subi %add3A_107, %sub3A : i32
      %mul3A_109 = arith.constant 128 : i32
      %mul3A_110 = arith.muli %sub3A_108, %mul3A_109 : i32
      %add3A_111 = arith.addi %mul3A_2, %mul3A_110 : i32
      %dma_start3A_112 = arith.constant 0 : i32
      %dma_start3A_113 = arith.constant 0 : i32
      %dma_start3A_114 = tpu.memref_slice %arg6[%dma_start3A_112, %dma_start3A_113] : memref<512x128xf32, #tpu.memory_space<vmem>> -> memref<256x128xf32, #tpu.memory_space<vmem>>
      %dma_start3A_115 = arith.constant 0 : i32
      %dma_start3A_116 = tpu.memref_slice %arg4[%add3A_111, %dma_start3A_115] : memref<819200x128xf32, #tpu.memory_space<hbm>> -> memref<256x128xf32, #tpu.memory_space<hbm>>
      %dma_start3A_117 = arith.constant 0 : i32
      %dma_start3A_118 = tpu.memref_slice %arg4[%add3A_111, %dma_start3A_117] : memref<819200x128xf32, #tpu.memory_space<hbm>> -> memref<256x128xf32, #tpu.memory_space<hbm>>
      %dma_start3A_119 = arith.constant 0 : i32
      %dma_start3A_120 = arith.constant 0 : i32
      %dma_start3A_121 = tpu.memref_slice %arg6[%dma_start3A_119, %dma_start3A_120] : memref<512x128xf32, #tpu.memory_space<vmem>> -> memref<256x128xf32, #tpu.memory_space<vmem>>
      tpu.enqueue_dma source(%dma_start3A_121 : memref<256x128xf32, #tpu.memory_space<vmem>>) target(%dma_start3A_118 : memref<256x128xf32, #tpu.memory_space<hbm>>) target_semaphore(%arg11 : memref<!tpu.dma_semaphore, #tpu.memory_space<semaphore_mem>>)
      %add3A_122 = arith.constant 2 : i32
      %add3A_123 = arith.addi %mul3A_33, %add3A_122 : i32
      %dma_wait3A_124 = arith.constant 256 : i32
      %dma_wait3A_125 = arith.constant 0 : i32
      %dma_wait3A_126 = tpu.memref_slice %arg6[%dma_wait3A_124, %dma_wait3A_125] : memref<512x128xf32, #tpu.memory_space<vmem>> -> memref<128x128xf32, #tpu.memory_space<vmem>>
      %dma_wait3A_127 = arith.constant 0 : i32
      %dma_wait3A_128 = tpu.memref_slice %arg5[%add3A_123, %dma_wait3A_127] : memref<200x128xi32, #tpu.memory_space<vmem>> -> memref<1x128xi32, #tpu.memory_space<vmem>>
      %dma_wait3A_129 = tpu.memref_squeeze %dma_wait3A_128 : memref<1x128xi32, #tpu.memory_space<vmem>> -> memref<128xi32, #tpu.memory_space<vmem>>
      %dma_wait3A_130 = arith.constant 0 : i32
      %dma_wait3A_131 = arith.constant 0 : i32
      %dma_wait3A_132 = tpu.memref_slice %arg3[%dma_wait3A_130, %dma_wait3A_131] : memref<100000x128xf32, #tpu.memory_space<hbm>> -> memref<100000x128xf32, #tpu.memory_space<hbm>>
      tpu.wait_indirect_dma semaphore(%arg9 : memref<!tpu.dma_semaphore, #tpu.memory_space<semaphore_mem>>) src(%dma_wait3A_132 : memref<100000x128xf32, #tpu.memory_space<hbm>>) dst(%dma_wait3A_126 : memref<128x128xf32, #tpu.memory_space<vmem>>)
      %add3A_133 = arith.constant 3 : i32
      %add3A_134 = arith.addi %mul3A_33, %add3A_133 : i32
      %dma_wait3A_135 = arith.constant 384 : i32
      %dma_wait3A_136 = arith.constant 0 : i32
      %dma_wait3A_137 = tpu.memref_slice %arg6[%dma_wait3A_135, %dma_wait3A_136] : memref<512x128xf32, #tpu.memory_space<vmem>> -> memref<128x128xf32, #tpu.memory_space<vmem>>
      %dma_wait3A_138 = arith.constant 0 : i32
      %dma_wait3A_139 = tpu.memref_slice %arg5[%add3A_134, %dma_wait3A_138] : memref<200x128xi32, #tpu.memory_space<vmem>> -> memref<1x128xi32, #tpu.memory_space<vmem>>
      %dma_wait3A_140 = tpu.memref_squeeze %dma_wait3A_139 : memref<1x128xi32, #tpu.memory_space<vmem>> -> memref<128xi32, #tpu.memory_space<vmem>>
      %dma_wait3A_141 = arith.constant 0 : i32
      %dma_wait3A_142 = arith.constant 0 : i32
      %dma_wait3A_143 = tpu.memref_slice %arg3[%dma_wait3A_141, %dma_wait3A_142] : memref<100000x128xf32, #tpu.memory_space<hbm>> -> memref<100000x128xf32, #tpu.memory_space<hbm>>
      tpu.wait_indirect_dma semaphore(%arg10 : memref<!tpu.dma_semaphore, #tpu.memory_space<semaphore_mem>>) src(%dma_wait3A_143 : memref<100000x128xf32, #tpu.memory_space<hbm>>) dst(%dma_wait3A_137 : memref<128x128xf32, #tpu.memory_space<vmem>>)
      %add3A_144 = arith.constant 3 : i32
      %add3A_145 = arith.addi %mul3A_33, %add3A_144 : i32
      %sub3A_146 = arith.constant 1 : i32
      %sub3A_147 = arith.subi %add3A_145, %sub3A_146 : i32
      %mul3A_148 = arith.constant 128 : i32
      %mul3A_149 = arith.muli %sub3A_147, %mul3A_148 : i32
      %add3A_150 = arith.addi %mul3A_2, %mul3A_149 : i32
      %dma_start3A_151 = arith.constant 256 : i32
      %dma_start3A_152 = arith.constant 0 : i32
      %dma_start3A_153 = tpu.memref_slice %arg6[%dma_start3A_151, %dma_start3A_152] : memref<512x128xf32, #tpu.memory_space<vmem>> -> memref<256x128xf32, #tpu.memory_space<vmem>>
      %dma_start3A_154 = arith.constant 0 : i32
      %dma_start3A_155 = tpu.memref_slice %arg4[%add3A_150, %dma_start3A_154] : memref<819200x128xf32, #tpu.memory_space<hbm>> -> memref<256x128xf32, #tpu.memory_space<hbm>>
      %dma_start3A_156 = arith.constant 0 : i32
      %dma_start3A_157 = tpu.memref_slice %arg4[%add3A_150, %dma_start3A_156] : memref<819200x128xf32, #tpu.memory_space<hbm>> -> memref<256x128xf32, #tpu.memory_space<hbm>>
      %dma_start3A_158 = arith.constant 256 : i32
      %dma_start3A_159 = arith.constant 0 : i32
      %dma_start3A_160 = tpu.memref_slice %arg6[%dma_start3A_158, %dma_start3A_159] : memref<512x128xf32, #tpu.memory_space<vmem>> -> memref<256x128xf32, #tpu.memory_space<vmem>>
      tpu.enqueue_dma source(%dma_start3A_160 : memref<256x128xf32, #tpu.memory_space<vmem>>) target(%dma_start3A_157 : memref<256x128xf32, #tpu.memory_space<hbm>>) target_semaphore(%arg13 : memref<!tpu.dma_semaphore, #tpu.memory_space<semaphore_mem>>)
    }
    %scan3A_7 = arith.constant 50 : i32
    %add3A_8 = arith.constant 25088 : i32
    %add3A_9 = arith.addi %mul3A_2, %add3A_8 : i32
    %dma_wait3A = arith.constant 0 : i32
    %dma_wait3A_10 = arith.constant 0 : i32
    %dma_wait3A_11 = tpu.memref_slice %arg6[%dma_wait3A, %dma_wait3A_10] : memref<512x128xf32, #tpu.memory_space<vmem>> -> memref<256x128xf32, #tpu.memory_space<vmem>>
    %dma_wait3A_12 = arith.constant 0 : i32
    %dma_wait3A_13 = tpu.memref_slice %arg4[%add3A_9, %dma_wait3A_12] : memref<819200x128xf32, #tpu.memory_space<hbm>> -> memref<256x128xf32, #tpu.memory_space<hbm>>
    %dma_wait3A_14 = arith.constant 0 : i32
    %dma_wait3A_15 = tpu.memref_slice %arg4[%add3A_9, %dma_wait3A_14] : memref<819200x128xf32, #tpu.memory_space<hbm>> -> memref<256x128xf32, #tpu.memory_space<hbm>>
    %dma_wait3A_16 = arith.constant 0 : i32
    %dma_wait3A_17 = arith.constant 0 : i32
    %dma_wait3A_18 = tpu.memref_slice %arg6[%dma_wait3A_16, %dma_wait3A_17] : memref<512x128xf32, #tpu.memory_space<vmem>> -> memref<256x128xf32, #tpu.memory_space<vmem>>
    tpu.wait_dma2 semaphore(%arg11 : memref<!tpu.dma_semaphore, #tpu.memory_space<semaphore_mem>>) src(%dma_wait3A_18 : memref<256x128xf32, #tpu.memory_space<vmem>>) dst(%dma_wait3A_15 : memref<256x128xf32, #tpu.memory_space<hbm>>)
    %add3A_19 = arith.constant 25344 : i32
    %add3A_20 = arith.addi %mul3A_2, %add3A_19 : i32
    %dma_wait3A_21 = arith.constant 256 : i32
    %dma_wait3A_22 = arith.constant 0 : i32
    %dma_wait3A_23 = tpu.memref_slice %arg6[%dma_wait3A_21, %dma_wait3A_22] : memref<512x128xf32, #tpu.memory_space<vmem>> -> memref<256x128xf32, #tpu.memory_space<vmem>>
    %dma_wait3A_24 = arith.constant 0 : i32
    %dma_wait3A_25 = tpu.memref_slice %arg4[%add3A_20, %dma_wait3A_24] : memref<819200x128xf32, #tpu.memory_space<hbm>> -> memref<256x128xf32, #tpu.memory_space<hbm>>
    %dma_wait3A_26 = arith.constant 0 : i32
    %dma_wait3A_27 = tpu.memref_slice %arg4[%add3A_20, %dma_wait3A_26] : memref<819200x128xf32, #tpu.memory_space<hbm>> -> memref<256x128xf32, #tpu.memory_space<hbm>>
    %dma_wait3A_28 = arith.constant 256 : i32
    %dma_wait3A_29 = arith.constant 0 : i32
    %dma_wait3A_30 = tpu.memref_slice %arg6[%dma_wait3A_28, %dma_wait3A_29] : memref<512x128xf32, #tpu.memory_space<vmem>> -> memref<256x128xf32, #tpu.memory_space<vmem>>
    tpu.wait_dma2 semaphore(%arg13 : memref<!tpu.dma_semaphore, #tpu.memory_space<semaphore_mem>>) src(%dma_wait3A_30 : memref<256x128xf32, #tpu.memory_space<vmem>>) dst(%dma_wait3A_27 : memref<256x128xf32, #tpu.memory_space<hbm>>)
    return
  }
}

</mosaic_0001>

<sc_bundles>
// kernel: kernel.3.cloned.1.call-start
scs
__scs_entry_jumppad:
0x0: {  	(pc) =	sbr.rel $0x88, $3  }
0x1: {  	(tag) =	ssettag $0x0;
	lr =	simm.s32 $0x1  }
0x2: {  	[smem:$0x3F9F] =	sst lr;
	_ =	strace $0xD0000000  }
0x3: {  	_ = 	snop  }
0x4: {  	_ = 	snop  }
0x5: {  	_ = 	snop  }
0x6: {  	_ = 	snop  }
0x7: {  	_ = 	snop  }
__scs_overlays_trampoline_lowered:
0x8: {  	[smem:$0x3FAE] =	sst s0  }
0x9: {  	[smem:$0x3FAF] =	sst s1  }
0xa: {  	[smem:$0x3FB0] =	sst s2  }
0xb: {  	[smem:$0x3FB1] =	sst s3  }
0xc: {  	[smem:$0x3FB2] =	sst s4  }
0xd: {  	[smem:$0x3FB3] =	sst s5  }
0xe: {  	[smem:$0x3FB4] =	sst s6  }
0xf: {  	[smem:$0x3FB5] =	sst s7  }
0x10: {  	[smem:$0x3FB6] =	sst s8  }
0x11: {  	[smem:$0x3FB7] =	sst s9;
	s0 =	simm.s32 @!p0 $0x0  }
0x12: {  	s1 =	sld [smem:$0x3F9D];
	s0 =	simm.s32 @p0 $0x1  }
0x13: {  	[smem:$0x3FB8] =	sst s0;
	s0 =	simm.s32 @!p1 $0x0  }
0x14: {  	s2 =	sld [smem:$0x3F9C];
	s0 =	simm.s32 @p1 $0x1  }
0x15: {  	[smem:$0x3FB9] =	sst s0;
	s0 =	simm.s32 @!p2 $0x0  }
0x16: {  	s3 =	sld [smem:$0x3FDB];
	s0 =	simm.s32 @p2 $0x1  }
0x17: {  	s4 =	simm.s32 $0x1BF5;
	[smem:$0x3FBB] =	sst s0  }
0x18: {  	s0 =	sld [smem:$0x3F9E];
	_ =	swait.ge [sflag:s4], $0x0  }
0x19: {  	s7 =	sld [smem:$0x3F9F]  }
0x1a: {  	s8 =	sadd.s32 $0xFFFFE003, lr  }
0x1b: {  	s9 =	sadd.s32 $0xFFFFFEF7, lr;
	s5 =	simm.s32 $0xFFFFFFFF;
	p2 =	slt.u32 s8, $0xFFFFF086  }
0x1c: {  	p1 =	slt.u32 s9, $0xF7A;
	s5 =	simm.s32 @!p2 $0x0  }
0x1d: {  	s5 =	simm.s32 @p1 $0x1;
	p0 =	seq.s32 s7, s2  }
0x1e: {  	s7 =	smul.u32 @!p0 $0xF7A, s2;
	p2 =	seq.s32 @!p0 s5, $0x0  }
0x1f: {  	s9 =	smul.u32 $0xF7A, s1;
	s8 =	simm.s32 @!p0 $0x1BF5;
	p2 =	por !p2, p0  }
0x20: {  	[sflag:s8] =	ssyncset.s32 @!p0 $0xFFFFF086;
	s6 =	sadd.s32 @!p0 s3, s7;
	s7 =	simm.s32 @!p0 $0x108  }
0x21: {  	s3 =	sadd.s32 s3, s9;
	s6 =	sadd.s32 @!p0 $0x88, s6;
	s7 =	simm.s32 @p2 $0x1082  }
0x22: {  	[simem:s7], [sflag:s8] =	dma.local @!p0 [hbm:s6], $0xF7A  }
0x23: {  	s9 =	sor.u32 $0xD0000000, s2;
	s6 =	simm.s32 $0x108;
	_ =	swait.ge @!p0 [sflag:s8], $0x0  }
0x24: {  	s3 =	sadd.s32 $0x88, s3;
	s6 =	simm.s32 @!p1 $0x1082;
	[sflag:s4] =	ssyncset.s32 $0xFFFFF086  }
0x25: {  	[simem:s6], [sflag:s4] =	dma.local [hbm:s3], $0xF7A  }
0x26: {  	[smem:$0x3F9F] =	sst s1;
	(tag) =	ssettag s2;
	_ =	strace s9  }
0x27: {  	s1 =	sld [smem:$0x3FAF]  }
0x28: {  	s2 =	sld [smem:$0x3FB0]  }
0x29: {  	s4 =	sld [smem:$0x3FB2]  }
0x2a: {  	p0 =	seq.s32 s5, $0x0;
	s5 =	sld [smem:$0x3FB3]  }
0x2b: {  	s6 =	sld [smem:$0x3FB4]  }
0x2c: {  	s7 =	sld [smem:$0x3FB5]  }
0x2d: {  	s3 =	simm.s32 $0x108;
	s8 =	sld [smem:$0x3FB6]  }
0x2e: {  	s3 =	simm.s32 @!p0 $0x1082;
	s9 =	sld [smem:$0x3FB7]  }
0x2f: {  	lr =	sadd.s32 s0, s3;
	s0 =	sld [smem:$0x3FAE]  }
0x30: {  	s3 =	sld [smem:$0x3FB1]  }
0x31: {  	[smem:$0x3FBA] =	sst s10  }
0x32: {  	s10 =	sld [smem:$0x3FB8];
	_ =	sdelay $0x3  }
0x33: {  	p0 =	seq.s32 s10, $0x1;
	s10 =	sld [smem:$0x3FBA];
	_ =	sdelay $0x3  }
0x34: {  	[smem:$0x3FBA] =	sst s10  }
0x35: {  	s10 =	sld [smem:$0x3FB9];
	_ =	sdelay $0x3  }
0x36: {  	p1 =	seq.s32 s10, $0x1;
	s10 =	sld [smem:$0x3FBA];
	_ =	sdelay $0x3  }
0x37: {  	[smem:$0x3FBA] =	sst s10  }
0x38: {  	s10 =	sld [smem:$0x3FBB]  }
0x39: {  	_ = 	snop;
	(pc) =	sbr.ind lr, $3  }
0x3a: {  	_ = 	snop  }
0x3b: {  	_ = 	snop  }
0x3c: {  	p2 =	seq.s32 s10, $0x1;
	s10 =	sld [smem:$0x3FBA]  }
0x3d: {  	_ =	shalt  }
0x3e: {  	_ =	shalt  }
0x3f: {  	_ =	shalt  }
0x40: {  	_ =	shalt  }
0x41: {  	_ =	shalt  }
0x42: {  	_ =	shalt  }
0x43: {  	_ =	shalt  }
0x44: {  	_ =	shalt  }
0x45: {  	_ =	shalt  }
0x46: {  	_ =	shalt  }
0x47: {  	_ =	shalt  }
0x48: {  	_ =	shalt  }
0x49: {  	_ =	shalt  }
0x4a: {  	_ =	shalt  }
0x4b: {  	_ =	shalt  }
0x4c: {  	_ =	shalt  }
0x4d: {  	_ =	shalt  }
0x4e: {  	_ =	shalt  }
0x4f: {  	_ =	shalt  }
0x50: {  	_ =	shalt  }
0x51: {  	_ =	shalt  }
0x52: {  	_ =	shalt  }
0x53: {  	_ =	shalt  }
0x54: {  	_ =	shalt  }
0x55: {  	_ =	shalt  }
0x56: {  	_ =	shalt  }
0x57: {  	_ =	shalt  }
0x58: {  	_ =	shalt  }
0x59: {  	_ =	shalt  }
0x5a: {  	_ =	shalt  }
0x5b: {  	_ =	shalt  }
0x5c: {  	_ =	shalt  }
0x5d: {  	_ =	shalt  }
0x5e: {  	_ =	shalt  }
0x5f: {  	_ =	shalt  }
0x60: {  	_ =	shalt  }
0x61: {  	_ =	shalt  }
0x62: {  	_ =	shalt  }
0x63: {  	_ =	shalt  }
0x64: {  	_ =	shalt  }
0x65: {  	_ =	shalt  }
0x66: {  	_ =	shalt  }
0x67: {  	_ =	shalt  }
0x68: {  	_ =	shalt  }
0x69: {  	_ =	shalt  }
0x6a: {  	_ =	shalt  }
0x6b: {  	_ =	shalt  }
0x6c: {  	_ =	shalt  }
0x6d: {  	_ =	shalt  }
0x6e: {  	_ =	shalt  }
0x6f: {  	_ =	shalt  }
0x70: {  	_ =	shalt  }
0x71: {  	_ =	shalt  }
0x72: {  	_ =	shalt  }
0x73: {  	_ =	shalt  }
0x74: {  	_ =	shalt  }
0x75: {  	_ =	shalt  }
0x76: {  	_ =	shalt  }
0x77: {  	_ =	shalt  }
0x78: {  	_ =	shalt  }
0x79: {  	_ =	shalt  }
0x7a: {  	_ =	shalt  }
0x7b: {  	_ =	shalt  }
0x7c: {  	_ =	shalt  }
0x7d: {  	_ =	shalt  }
0x7e: {  	_ =	shalt  }
0x7f: {  	_ =	shalt  }
0x80: {  	_ =	shalt  }
0x81: {  	_ =	shalt  }
0x82: {  	_ =	shalt  }
0x83: {  	_ =	shalt  }
0x84: {  	_ =	shalt  }
0x85: {  	_ =	shalt  }
0x86: {  	_ =	shalt  }
0x87: {  	_ =	shalt  }
.Lfunc_end0:
.L_simem_size_0:
called_computation_lowered:
.L_overlay_start_0:
0x88: {  	s2 =	sld [smem:$0x3FD9]  }
0x89: {  	s3 =	sld [smem:$0x3FFE];
	_ =	sdelay $0x1  }
0x8a: {  	s1 =	srdreg.scid  }
0x8b: {  	s0 =	sand.u32 $0x1, s1  }
0x8c: {  	s17 =	sshll.u32 s0, $0xA;
	s2 =	sadd.s32 s3, s2  }
0x8d: {  	s2 =	sadd.s32 s2, s17  }
0x8e: {  	[smem:$0x3FC6] =	sst s2  }
0x8f: {  	_ = 	snop  }
0x90: {  	s2 =	sld [smem:$0x3FC8]  }
0x91: {  	s18 =	sld [smem:$0x3FD0];
	(tm) =	ssettm $0x1  }
0x92: {  	s4 =	sld [smem:$0x3FFB];
	_ =	sdelay $0x3  }
0x93: {  	_ =	strace s4  }
0x94: {  	s4 =	sld [smem:$0x3FFC];
	_ =	sdelay $0x3  }
0x95: {  	_ =	strace s4  }
0x96: {  	s4 =	sld [smem:$0x3FFD];
	_ =	sdelay $0x3  }
0x97: {  	_ =	strace s4  }
0x98: {  	_ =	strace $0x8FFFFFFF  }
0x99: {  	s19 =	sld [smem:$0x3FDB];
	_ =	sdelay $0x1  }
0x9a: {  	s5 =	simm.s32 $_scs_section_size  }
0x9b: {  	s6 =	simm.s32 $_size__tile_overlayer_lowered;
	s7 =	simm.s32 $_tile_overlayer_lowered  }
0x9c: {  	s22 =	simm.s32 $0x1BFF;
	s21 =	sshll.u32 s7, $0x1;
	s4 =	sadd.s32 s5, s19  }
0x9d: {  	s8 =	simm.s32 $0x0;
	s20 =	sshll.u32 s6, $0x1;
	s6 =	sadd.s32 s21, s4  }
0x9e: {  	[timem:s8], [sflag:s22] =	dma.local [hbm:s6], s20  }
0x9f: {  	_ =	swait.ge [sflag:s22], s20  }
0xa0: {  	s5 =	ssub.s32 $0x0, s20;
	[sflag:s22] =	ssyncset.done $0x0  }
0xa1: {  	[sflag:s22] =	ssyncadd.s32 s5;
	_ =	sdelay $0x1  }
0xa2: {  	s23 =	simm.s32 $0x1B8B  }
0xa3: {  	_ =	swait.ge [sflag:s23], $0x1  }
0xa4: {  	[sflag:s23] =	ssyncset.done $0x0  }
0xa5: {  	s25 =	simm.s32 $0x1B8E;
	s24 =	sld [smem:$0x3FFE];
	[sflag:s23] =	ssyncadd.s32 $0xFFFFFFFF  }
0xa6: {  	s26 =	simm.s32 $execute0_lowered;
	[smem:$0x3FD2] =	sst s25  }
0xa7: {  	s6 =	sshll.u32 s26, $0x1;
	_ =	strace $0x80000046;
	[dreg:$0x1] =	wrdreg $0xFFFFFFFF  }
0xa8: {  	s28 =	simm.s32 $_size_execute0_lowered;
	s4 =	sadd.s32 s4, s6;
	[dreg:$0x0] =	wrdreg $0x0  }
0xa9: {  	s6 =	sshll.u32 s28, $0x1;
	[dreg:$0x2] =	wrdreg s4  }
0xaa: {  	[dreg:$0x3] =	wrdreg s6  }
0xab: {  	[dreg:$0x4] =	wrdreg $0xC0  }
0xac: {  	_ =	task [dreg:s8], $0x5FFFF  }
0xad: {  	[dreg:$0x1] =	wrdreg $0xFFFFFFFF  }
0xae: {  	[dreg:$0x0] =	wrdreg $0x60  }
0xaf: {  	[dreg:$0x2] =	wrdreg s24  }
0xb0: {  	[dreg:$0x3] =	wrdreg s2  }
0xb1: {  	[dreg:$0x4] =	wrdreg s18  }
0xb2: {  	[dreg:$0x5] =	wrdreg $0x9  }
0xb3: {  	_ =	task.clear_ibuf [dreg:s8], $0x6FFFF;
	_ =	strace $0x90000046  }
0xb4: {  	s29 =	simm.s32 $0x9;
	_ =	strace $0x80000048  }
0xb5: {  	_ =	swait.ge [sflag:s29], $0x1  }
0xb6: {  	[sflag:s29] =	ssyncadd.s32 $0xFFFFFFFF  }
0xb7: {  	_ =	strace $0x90000048  }
0xb8: {  	_ =	sfence  }
0xb9: {  	s30 =	sld [smem:$0x0];
	_ =	sdelay $0x2  }
0xba: {  	s31 =	sshll.u32 s1, $0xD;
	s1 =	sshrl.u32 s1, $0x2  }
0xbb: {  	s3 =	sand.u32 $0x4000, s31;
	s1 =	sadd.s32 s1, s30  }
0xbc: {  	s0 =	sor.u32 s3, s0;
	s1 =	sshll.u32 s1, $0x11  }
0xbd: {  	s0 =	sor.u32 s1, s0  }
0xbe: {  	s0 =	sadd.s32 $0x8F2B, s0  }
0xbf: {  	[sflag:s0] =	ssyncadd.remote.s32 $0x1  }
0xc0: {  	_ =	sfence.sel $0xFFFF  }
0xc1: {  	[dreg:$0x0] =	wrdreg $0xFFFFFFFF;
	(pc) =	sbr.abs _section_cstart, $3  }
0xc2: {  	[dreg:$0x1] =	wrdreg $0xFFFFFFFF  }
0xc3: {  	_ =	task.clear_ibuf [dreg:s8], $0x2FFFF;
	_ =	strace $0x9FFFFFFF  }
0xc4: {  	(tm) =	ssettm $0x7FFFFFFF  }
0xc5: {  	_ =	shalt  }
tec
execute0_lowered:
.L_overlay_start_1:
0x0: {  	(tag) =	ssettag $0x1  }
0x1: {  	s4 =	rddreg [dreg:$0x0];
	s1 =	srdreg.scid  }
0x2: {  	s0 =	stileid.u32;
	s2 =	rddreg [dreg:$0x1]  }
0x3: {  	s8 =	rddreg [dreg:$0x2];
	s3 =	simm.s32 $0x0;
	s13 =	simm.s32 $0xA400  }
0x4: {  	s14 =	simm.s32 $0x100;
	s15 =	simm.s32 $0xE400;
	s16 =	simm.s32 $0x180  }
0x5: {  	s17 =	simm.s32 $0x12400;
	s18 =	simm.s32 $0x1;
	s12 =	smul.u32 $0x640000, s0  }
0x6: {  	s19 =	simm.s32 $0x2;
	s6 =	sand.u32 $0x1, s1;
	s26 =	smul.u32 $0xC8000, s0  }
0x7: {  	s20 =	simm.s32 $0x3;
	s21 =	sshll.u32 s0, $0x1;
	s25 =	smul.u32 $0x320000, s6  }
0x8: {  	[smem:$0x7FF] =	sst s3;
	s5 =	sor.u32 s6, s21;
	s28 =	smul.u32 $0x64000, s6  }
0x9: {  	s1 =	rddreg [dreg:$0x3];
	_ =	strace $0x80000047;
	s7 =	smul.u32 $0x6400, s5  }
0xa: {  	s10 =	ssub.s32 $0x2, s6;
	s21 =	simm.s32 $0x4;
	s9 =	smul.u32 $0x320000, s5  }
0xb: {  	s11 =	smul.u32 $0x64000, s5;
	s23 =	sshrl.u32 s10, $0x1;
	s29 =	sadd.s32 s26, s8  }
0xc: {  	s24 =	ssub.s32 s10, s23;
	s10 =	simm.s32 $0x7;
	s23 =	simm.s32 $0x6  }
0xd: {  	s22 =	sshrl.u32 s7, $0x3;
	s5 =	smax.u32 s24, $0x1;
	s9 =	sshrl.u32 s9, $0x3  }
0xe: {  	s7 =	sadd.s32 s25, s12;
	s30 =	sadd.s32 s11, s8;
	s11 =	simm.s32 $0x80  }
0xf: {  	s12 =	simm.s32 $0x6400;
	s24 =	simm.s32 $0x0;
	s4 =	sadd.s32 s22, s4  }
0x10: {  	s6 =	sadd.s32 s8, s9;
	s7 =	sor.u32 $0x10000, s7;
	s9 =	sadd.s32 s28, s29  }
0x11: {  	s22 =	simm.s32 $0x5;
	s4 =	sadd.s32 $0x400, s4;
	s31 =	sshrl.u32 s7, $0x3  }
0x12: {  	s7 =	sadd.s32 $0x1000, s30;
	s9 =	sadd.s32 $0x3000, s9;
	s8 =	sadd.s32 s31, s8  }
.LBB2_1:
0x13: {  	[tilespmem:s3], [sflag:$0x7] =	stream.linear.gather [hbm4b:s4+s3], $0x6400, $0x38;
	[tilespmem:$0x16400] =	vst v63  }
0x14: {  	_ =	swait.ge [sflag:s10], $0x6400  }
0x15: {  	[sflag:s10] =	ssyncset.done $0x0  }
0x16: {  	[sflag:s10] =	ssyncadd.s32 $0xFFFF9C00  }
0x17: {  	[tilespmem:s12], [sflag:$0x1] =	stream.indirect.gather [hbm4b:s2+s11], $0x80, s3, s11, $0xb8;
	[tilespmem:$0x16400] =	vst v63  }
0x18: {  	_ = 	snop  }
0x19: {  	[tilespmem:s13], [sflag:$0x2] =	stream.indirect.gather [hbm4b:s2+s11], $0x80, s11, s11, $0xb8;
	[tilespmem:$0x16400] =	vst v63  }
0x1a: {  	_ = 	snop  }
0x1b: {  	[tilespmem:s15], [sflag:$0x3] =	stream.indirect.gather [hbm4b:s2+s11], $0x80, s14, s11, $0xb8;
	[tilespmem:$0x16400] =	vst v63  }
0x1c: {  	_ = 	snop  }
0x1d: {  	[tilespmem:s17], [sflag:$0x4] =	stream.indirect.gather [hbm4b:s2+s11], $0x80, s16, s11, $0xb8;
	[tilespmem:$0x16400] =	vst v63  }
0x1e: {  	_ =	swait.ge [sflag:s18], $0x4000  }
0x1f: {  	[sflag:s18] =	ssyncset.done $0x0  }
0x20: {  	[sflag:s18] =	ssyncadd.s32 $0xFFFFC000  }
0x21: {  	_ =	swait.ge [sflag:s19], $0x4000  }
0x22: {  	[sflag:s19] =	ssyncset.done $0x0  }
0x23: {  	[sflag:s19] =	ssyncadd.s32 $0xFFFFC000  }
0x24: {  	[hbm4b:s6+s3] =	stream.linear.scatter [tilespmem:s12], [sflag:$0x5], $0x8000, $0x38;
	[tilespmem:$0x16400] =	vst v63  }
0x25: {  	_ =	swait.ge [sflag:s20], $0x4000  }
0x26: {  	[sflag:s20] =	ssyncset.done $0x0  }
0x27: {  	[sflag:s20] =	ssyncadd.s32 $0xFFFFC000  }
0x28: {  	_ =	swait.ge [sflag:s21], $0x4000  }
0x29: {  	[sflag:s21] =	ssyncset.done $0x0  }
0x2a: {  	[sflag:s21] =	ssyncadd.s32 $0xFFFFC000  }
0x2b: {  	[hbm4b:s7+s3] =	stream.linear.scatter [tilespmem:s15], [sflag:$0x6], $0x8000, $0x38;
	[tilespmem:$0x16400] =	vst v63  }
0x2c: {  	_ =	swait.ge [sflag:s22], $0x8000  }
0x2d: {  	[sflag:s22] =	ssyncset.done $0x0  }
0x2e: {  	s25 =	simm.s32 $0x200;
	[sflag:s22] =	ssyncadd.s32 $0xFFFF8000  }
0x2f: {  	[tilespmem:s12], [sflag:$0x1] =	stream.indirect.gather [hbm4b:s2+s11], $0x80, s25, s11, $0xb8;
	[tilespmem:$0x16400] =	vst v63  }
0x30: {  	s26 =	simm.s32 $0x280  }
0x31: {  	[tilespmem:s13], [sflag:$0x2] =	stream.indirect.gather [hbm4b:s2+s11], $0x80, s26, s11, $0xb8;
	[tilespmem:$0x16400] =	vst v63  }
0x32: {  	_ =	swait.ge [sflag:s23], $0x8000  }
0x33: {  	[sflag:s23] =	ssyncset.done $0x0  }
0x34: {  	s30 =	simm.s32 $0x300;
	[sflag:s23] =	ssyncadd.s32 $0xFFFF8000  }
0x35: {  	[tilespmem:s15], [sflag:$0x3] =	stream.indirect.gather [hbm4b:s2+s11], $0x80, s30, s11, $0xb8;
	[tilespmem:$0x16400] =	vst v63  }
0x36: {  	s31 =	simm.s32 $0x380  }
0x37: {  	[tilespmem:s17], [sflag:$0x4] =	stream.indirect.gather [hbm4b:s2+s11], $0x80, s31, s11, $0xb8;
	[tilespmem:$0x16400] =	vst v63  }
0x38: {  	_ =	swait.ge [sflag:s18], $0x4000  }
0x39: {  	[sflag:s18] =	ssyncset.done $0x0  }
0x3a: {  	[sflag:s18] =	ssyncadd.s32 $0xFFFFC000  }
0x3b: {  	_ =	swait.ge [sflag:s19], $0x4000  }
0x3c: {  	[sflag:s19] =	ssyncset.done $0x0  }
0x3d: {  	[sflag:s19] =	ssyncadd.s32 $0xFFFFC000  }
0x3e: {  	[hbm4b:s8+s3] =	stream.linear.scatter [tilespmem:s12], [sflag:$0x5], $0x8000, $0x38;
	[tilespmem:$0x16400] =	vst v63  }
0x3f: {  	_ =	swait.ge [sflag:s20], $0x4000  }
0x40: {  	[sflag:s20] =	ssyncset.done $0x0  }
0x41: {  	[sflag:s20] =	ssyncadd.s32 $0xFFFFC000  }
0x42: {  	_ =	swait.ge [sflag:s21], $0x4000  }
0x43: {  	s28 =	sadd.s32 $0x2000, s9;
	s29 =	smov.u32 s9;
	[sflag:s21] =	ssyncset.done $0x0  }
0x44: {  	s25 =	simm.s32 $0x800;
	s26 =	sadd.s32 $0x2000, s8;
	[sflag:s21] =	ssyncadd.s32 $0xFFFFC000  }
.LBB2_2:
0x45: {  	[hbm4b:s29+s3] =	stream.linear.scatter [tilespmem:s15], [sflag:$0x6], $0x8000, $0x38;
	[tilespmem:$0x16400] =	vst v63  }
0x46: {  	s30 =	smov.u32 s25;
	s29 =	smov.u32 s28  }
0x47: {  	p0 =	sne.s32 s25, $0x18000;
	s25 =	sadd.s32 $0x800, s25;
	_ =	swait.ge [sflag:s22], $0x8000  }
0x48: {  	s30 =	sshra.s32 s30, $0x2;
	[sflag:s22] =	ssyncset.done $0x0  }
0x49: {  	s31 =	sadd.s32 $0x200, s30;
	[sflag:s22] =	ssyncadd.s32 $0xFFFF8000  }
0x4a: {  	[tilespmem:s12], [sflag:$0x1] =	stream.indirect.gather [hbm4b:s2+s11], $0x80, s31, s11, $0xb8;
	[tilespmem:$0x16400] =	vst v63  }
0x4b: {  	s31 =	sadd.s32 $0x280, s30  }
0x4c: {  	[tilespmem:s13], [sflag:$0x2] =	stream.indirect.gather [hbm4b:s2+s11], $0x80, s31, s11, $0xb8;
	[tilespmem:$0x16400] =	vst v63  }
0x4d: {  	_ =	swait.ge [sflag:s23], $0x8000  }
0x4e: {  	[sflag:s23] =	ssyncset.done $0x0  }
0x4f: {  	s31 =	sadd.s32 $0x300, s30;
	[sflag:s23] =	ssyncadd.s32 $0xFFFF8000  }
0x50: {  	[tilespmem:s15], [sflag:$0x3] =	stream.indirect.gather [hbm4b:s2+s11], $0x80, s31, s11, $0xb8;
	[tilespmem:$0x16400] =	vst v63  }
0x51: {  	s30 =	sadd.s32 $0x380, s30  }
0x52: {  	[tilespmem:s17], [sflag:$0x4] =	stream.indirect.gather [hbm4b:s2+s11], $0x80, s30, s11, $0xb8;
	[tilespmem:$0x16400] =	vst v63  }
0x53: {  	_ =	swait.ge [sflag:s18], $0x4000  }
0x54: {  	[sflag:s18] =	ssyncset.done $0x0  }
0x55: {  	[sflag:s18] =	ssyncadd.s32 $0xFFFFC000  }
0x56: {  	_ =	swait.ge [sflag:s19], $0x4000  }
0x57: {  	[sflag:s19] =	ssyncset.done $0x0  }
0x58: {  	[sflag:s19] =	ssyncadd.s32 $0xFFFFC000  }
0x59: {  	[hbm4b:s26+s3] =	stream.linear.scatter [tilespmem:s12], [sflag:$0x5], $0x8000, $0x38;
	[tilespmem:$0x16400] =	vst v63  }
0x5a: {  	_ =	swait.ge [sflag:s20], $0x4000  }
.Ltmp0:
0x5b: {  	[sflag:s20] =	ssyncset.done $0x0;
	(pc) =	sbr.rel @p0 .LBB2_2-.Ltmp0, $4  }
0x5c: {  	[sflag:s20] =	ssyncadd.s32 $0xFFFFC000  }
0x5d: {  	_ =	swait.ge [sflag:s21], $0x4000  }
0x5e: {  	[sflag:s21] =	ssyncset.done $0x0  }
0x5f: {  	s28 =	sadd.s32 $0x2000, s28;
	s26 =	sadd.s32 $0x2000, s26;
	[sflag:s21] =	ssyncadd.s32 $0xFFFFC000  }
0x60: {  	[hbm4b:s29+s3] =	stream.linear.scatter [tilespmem:s15], [sflag:$0x6], $0x8000, $0x38;
	[tilespmem:$0x16400] =	vst v63  }
0x61: {  	s24 =	sadd.s32 $0x1, s24  }
0x62: {  	_ =	swait.ge [sflag:s22], $0x8000;
	p0 =	sne.s32 s24, s5  }
.Ltmp1:
0x63: {  	[sflag:s22] =	ssyncset.done $0x0;
	(pc) =	sbr.rel @p0 .LBB2_1-.Ltmp1, $4  }
0x64: {  	[sflag:s22] =	ssyncadd.s32 $0xFFFF8000  }
0x65: {  	_ =	swait.ge [sflag:s23], $0x8000  }
0x66: {  	[sflag:s23] =	ssyncset.done $0x0  }
0x67: {  	[sflag:s23] =	ssyncadd.s32 $0xFFFF8000  }
0x68: {  	_ =	sfence.sel $0x180000  }
0x69: {  	[bflag:$0x0] =	sbarrier.arrive $0xFFFF  }
0x6a: {  	p0 =	sne.s32 s0, $0x0;
	_ =	strace $0x90000047  }
0x6b: {  	s0 =	sadd.s32 @!p0 $0x100000, s1;
	[bflag:$0x2] =	sbarrier.arrive $0xFFFF  }
0x6c: {  	[sflag:s0] =	ssyncadd.tile.s32 @!p0 $0x1;
	_ =	shalt  }
.Lfunc_end2:
_tile_overlayer_lowered:
.L_overlay_start_2:
0x6d: {  	(tag) =	ssettag $0x2  }
0x6e: {  	s0 =	rddreg [dreg:$0x0];
	s2 =	stileid.u32  }
0x6f: {  	s1 =	rddreg [dreg:$0x1];
	p0 =	sne.s32 s2, $0x0  }
0x70: {  	s3 =	rddreg [dreg:$0x2];
	[bflag:$0x3] =	sbarrier.arrive $0xFFFF;
	s2 =	simm.s32 @!p0 $0x1C07  }
0x71: {  	[timem:s3], [sflag:s2] =	dma.local @!p0 [hbm:s0], s1  }
0x72: {  	s0 =	simm.s32 @!p0 $0x7  }
0x73: {  	_ =	swait.ge @!p0 [sflag:s0], s1  }
0x74: {  	s1 =	ssub.s32 @!p0 $0x0, s1;
	[sflag:s0] =	ssyncset.done @!p0 $0x0  }
0x75: {  	[sflag:s0] =	ssyncadd.s32 @!p0 s1  }
0x76: {  	[bflag:$0x3] =	sbarrier.arrive $0xFFFF  }
0x77: {  	_ =	shalt  }

</sc_bundles>
